<compile_context>
chip_gen: v7x
topology: tpu7x:2x2x1
jax: 0.10.2.dev20260603
libtpu: 0.0.44.dev20260713+nightly
codegen_flags: <defaults>
</compile_context>

<pallas_src>
import functools

import jax
import jax.numpy as jnp
from jax import lax
from jax.experimental import pallas as pl
from jax.experimental.pallas import tpu as pltpu
from jax.experimental.pallas import tpu_sc as plsc


def _make_sc_gather(N, D, V, F, NC, NS):
    NW = NC * NS
    n_per_w = N // NW
    CH = 128
    n_ch = n_per_w // CH
    LANES = 16
    mesh = plsc.VectorSubcoreMesh(core_axis_name="c", subcore_axis_name="s")

    @functools.partial(
        pl.kernel,
        out_type=jax.ShapeDtypeStruct((N, D), jnp.float32),
        mesh=mesh,
        scratch_types=[
            pltpu.VMEM((n_per_w,), jnp.int32),
            pltpu.VMEM((n_per_w, D), jnp.float32),
            pltpu.SemaphoreType.DMA,
            pltpu.SemaphoreType.DMA,
        ],
        compiler_params=pltpu.CompilerParams(use_tc_tiling_on_sc=False),
    )
    def gather_kernel(table_hbm, idx_hbm, out_hbm, idx_v, rows_v,
                      sem_a, sem_b):
        wid = lax.axis_index("s") * NC + lax.axis_index("c")
        base = wid * n_per_w
        pltpu.sync_copy(idx_hbm.at[pl.ds(base, n_per_w)], idx_v)

        def add_offsets(k, carry):
            p = k * LANES + lax.iota(jnp.int32, LANES)
            f = lax.rem(p, F)
            sl = pl.ds(k * LANES, LANES)
            idx_v[sl] = idx_v[sl] + f * V
            return carry

        lax.fori_loop(0, n_per_w // LANES, add_offsets, 0)

        def fire(j, sem):
            pltpu.async_copy(
                table_hbm.at[idx_v.at[pl.ds(j * CH, CH)]],
                rows_v.at[pl.ds(j * CH, CH)],
                sem,
            )

        def wait(j, sem):
            pltpu.make_async_copy(
                table_hbm.at[idx_v.at[pl.ds(j * CH, CH)]],
                rows_v.at[pl.ds(j * CH, CH)],
                sem,
            ).wait()

        fire(0, sem_a)
        fire(1, sem_b)

        @pl.loop(0, n_ch, step=2)
        def outer(j0):
            for b, sem in enumerate((sem_a, sem_b)):
                j = j0 + b
                wait(j, sem)

                @pl.when(j + 2 < n_ch)
                def _():
                    fire(j + 2, sem)

        pltpu.sync_copy(rows_v, out_hbm.at[pl.ds(base, n_per_w)])

    return gather_kernel


def _dense_body(x_ref, w1_ref, b1_ref, w2_ref, b2_ref, o_ref):
    h = jnp.dot(x_ref[...], w1_ref[...], preferred_element_type=jnp.float32)
    h = jnp.maximum(h + b1_ref[...], 0.0)
    logits = jnp.dot(h, w2_ref[...], preferred_element_type=jnp.float32)
    logits = logits + b2_ref[...]
    o_ref[...] = 1.0 / (1.0 + jnp.exp(-logits))


def kernel(indices, tables, W1, b1, W2, b2):
    B, F = indices.shape
    _, V, D = tables.shape
    FD, H = W1.shape
    N = B * F

    table_flat = tables.reshape(F * V, D)
    idx_flat = indices.astype(jnp.int32).reshape(N)

    NC, NS = 2, 16
    x = _make_sc_gather(N, D, V, F, NC, NS)(table_flat, idx_flat)
    x = x.reshape(B, FD)

    BB = 512
    out = pl.pallas_call(
        _dense_body,
        grid=(B // BB,),
        in_specs=[
            pl.BlockSpec((BB, FD), lambda i: (i, 0)),
            pl.BlockSpec((FD, H), lambda i: (0, 0)),
            pl.BlockSpec((1, H), lambda i: (0, 0)),
            pl.BlockSpec((H, 1), lambda i: (0, 0)),
            pl.BlockSpec((1, 1), lambda i: (0, 0)),
        ],
        out_specs=pl.BlockSpec((BB, 1), lambda i: (i, 0)),
        out_shape=jax.ShapeDtypeStruct((B, 1), jnp.float32),
    )(x, W1, b1.reshape(1, H), W2, b2.reshape(1, 1))
    return out[:, 0]

# --- scband reference (transcript-rebuilt; emitter-appended) ---
"""Pipeline reference for scband-model-base-builder-26817775796313 (READ-ONLY COPY).

The authoritative reference and input builder live on the scoring server;
editing this copy changes nothing except your own understanding.
"""

import jax, jax.numpy as jnp
import numpy as np

B = 4096
F = 26
V = 100000
D = 32
H = 256

def setup_inputs(seed: int = 0) -> dict:
    key = jax.random.key(seed)
    k1, k2, k3, k4 = jax.random.split(key, 4)
    indices = jax.random.randint(k1, (B, F), 0, V)
    tables = jax.random.normal(k2, (F, V, D), dtype=jnp.float32) * 0.01
    W1 = jax.random.normal(k3, (F * D, H), dtype=jnp.float32) * 0.05
    b1 = jnp.zeros((H,), dtype=jnp.float32)
    W2 = jax.random.normal(k4, (H, 1), dtype=jnp.float32) * 0.05
    b2 = jnp.zeros((1,), dtype=jnp.float32)
    return {"indices": indices, "tables": tables, "W1": W1, "b1": b1, "W2": W2, "b2": b2}

def reference(indices, tables, W1, b1, W2, b2):
    # Per-field embedding lookup: emb_layers[f](encoder_layers[f](raw)) -> table[f][idx]
    field_ids = jnp.arange(F)[None, :]  # [1, F]
    emb = tables[field_ids, indices]    # [B, F, D] gather
    x = emb.reshape(indices.shape[0], F * D)
    h = jax.nn.relu(x @ W1 + b1)
    logits = (h @ W2 + b2).squeeze(-1)
    preds = jax.nn.sigmoid(logits)
    return preds

if __name__ == "__main__":
    import jax
    _d = setup_inputs()
    print(jax.jit(kernel)(*tuple(_d.values())))

</pallas_src>

<mosaic_0001>
#map = affine_map<(d0, d1) -> (0, 0)>
#map1 = affine_map<(d0, d1) -> (0)>
module attributes {stable_mosaic.version = 14 : i64} {
  func.func @gather_kernel(%arg0: i32, %arg1: i32, %arg2: memref<2600000x32xf32, #tpu.memory_space<hbm>>, %arg3: memref<106496xi32, #tpu.memory_space<hbm>>, %arg4: memref<106496x32xf32, #tpu.memory_space<hbm>>, %arg5: memref<3328xi32, #tpu.memory_space<vmem>>, %arg6: memref<3328x32xf32, #tpu.memory_space<vmem>>, %arg7: memref<!tpu.dma_semaphore, #tpu.memory_space<semaphore_mem>>, %arg8: memref<!tpu.dma_semaphore, #tpu.memory_space<semaphore_mem>>) attributes {dimension_semantics = [#tpu.dimension_semantics<core_parallel>, #tpu.dimension_semantics<subcore_parallel>], iteration_bounds = array<i64: 2, 16>, scalar_prefetch = 0 : i64, scratch_operands = 4 : i64, tpu.core_type = #tpu.core_type<sc_vector_subcore>, window_params = [{transform_indices = #map}, {transform_indices = #map1}, {transform_indices = #map}]} {
    %mul3A = arith.constant 2 : i32
    %mul3A_0 = arith.muli %arg1, %mul3A : i32
    %add3A = arith.addi %mul3A_0, %arg0 : i32
    %mul3A_1 = arith.constant 3328 : i32
    %mul3A_2 = arith.muli %add3A, %mul3A_1 : i32
    "tpu.region"() ({
      %run_scoped3A = tpu.sem_alloc : memref<!tpu.dma_semaphore, #tpu.memory_space<semaphore_mem>>
      %dma_start3A_28 = tpu.memref_slice %arg3[%mul3A_2] : memref<106496xi32, #tpu.memory_space<hbm>> -> memref<3328xi32, #tpu.memory_space<hbm>>
      %dma_start3A_29 = tpu.memref_slice %arg3[%mul3A_2] : memref<106496xi32, #tpu.memory_space<hbm>> -> memref<3328xi32, #tpu.memory_space<hbm>>
      tpu.enqueue_dma source(%dma_start3A_29 : memref<3328xi32, #tpu.memory_space<hbm>>) target(%arg5 : memref<3328xi32, #tpu.memory_space<vmem>>) target_semaphore(%run_scoped3A : memref<!tpu.dma_semaphore, #tpu.memory_space<semaphore_mem>>)
      %dma_wait3A = tpu.memref_slice %arg3[%mul3A_2] : memref<106496xi32, #tpu.memory_space<hbm>> -> memref<3328xi32, #tpu.memory_space<hbm>>
      %dma_wait3A_30 = tpu.memref_slice %arg3[%mul3A_2] : memref<106496xi32, #tpu.memory_space<hbm>> -> memref<3328xi32, #tpu.memory_space<hbm>>
      tpu.wait_dma2 semaphore(%run_scoped3A : memref<!tpu.dma_semaphore, #tpu.memory_space<semaphore_mem>>) src(%dma_wait3A_30 : memref<3328xi32, #tpu.memory_space<hbm>>) dst(%arg5 : memref<3328xi32, #tpu.memory_space<vmem>>)
      tpu.yield
    }) : () -> ()
    %scan3A = arith.constant 0 : i32
    %scan3A_3 = arith.constant 0 : i32
    %scan3A_4 = arith.constant 208 : i32
    %scan3A_5 = arith.addi %scan3A_3, %scan3A_4 : i32
    %scan3A_6 = arith.constant 1 : i32
    scf.for %scan3A_28 = %scan3A_3 to %scan3A_5 step %scan3A_6  : i32 {
      %mul3A_29 = arith.constant 16 : i32
      %mul3A_30 = arith.muli %scan3A_28, %mul3A_29 : i32
      %iota3A = tpu.iota {dimensions = array<i32: 0>} : vector<16xi32>
      %add3A_31 = vector.broadcast %mul3A_30 : i32 to vector<16xi32>
      %add3A_32 = arith.addi %add3A_31, %iota3A : vector<16xi32>
      %rem3A = arith.constant 26 : i32
      %rem3A_33 = vector.broadcast %rem3A : i32 to vector<16xi32>
      %rem3A_34 = arith.remsi %add3A_32, %rem3A_33 : vector<16xi32>
      %mul3A_35 = arith.constant 16 : i32
      %mul3A_36 = arith.muli %scan3A_28, %mul3A_35 : i32
      %get3A = arith.index_cast %mul3A_36 : i32 to index
      %get3A_37 = tpu.vector_load %arg5[%get3A] {strides = array<i32>} : memref<3328xi32, #tpu.memory_space<vmem>>, vector<16xi32>,
      %get3A_38 = vector.shape_cast %get3A_37 : vector<16xi32> to vector<16xi32>
      %mul3A_39 = arith.constant 100000 : i32
      %mul3A_40 = vector.broadcast %mul3A_39 : i32 to vector<16xi32>
      %mul3A_41 = arith.muli %rem3A_34, %mul3A_40 : vector<16xi32>
      %add3A_42 = arith.addi %get3A_38, %mul3A_41 : vector<16xi32>
      %swap3A = arith.index_cast %mul3A_36 : i32 to index
      %swap3A_43 = tpu.vector_load %arg5[%swap3A] {strides = array<i32>} : memref<3328xi32, #tpu.memory_space<vmem>>, vector<16xi32>,
      %swap3A_44 = vector.shape_cast %swap3A_43 : vector<16xi32> to vector<16xi32>
      %swap3A_45 = vector.shape_cast %add3A_42 : vector<16xi32> to vector<16xi32>
      tpu.vector_store %arg5[%swap3A], %swap3A_45 {strides = array<i32>} : memref<3328xi32, #tpu.memory_space<vmem>>, vector<16xi32>,
    }
    %scan3A_7 = arith.constant 208 : i32
    %dma_start3A = arith.constant 0 : i32
    %dma_start3A_8 = arith.constant 0 : i32
    %dma_start3A_9 = tpu.memref_slice %arg6[%dma_start3A, %dma_start3A_8] : memref<3328x32xf32, #tpu.memory_space<vmem>> -> memref<128x32xf32, #tpu.memory_space<vmem>>
    %dma_start3A_10 = arith.constant 0 : i32
    %dma_start3A_11 = tpu.memref_slice %arg5[%dma_start3A_10] : memref<3328xi32, #tpu.memory_space<vmem>> -> memref<128xi32, #tpu.memory_space<vmem>>
    %dma_start3A_12 = arith.constant 0 : i32
    %dma_start3A_13 = arith.constant 0 : i32
    %dma_start3A_14 = tpu.memref_slice %arg2[%dma_start3A_12, %dma_start3A_13] : memref<2600000x32xf32, #tpu.memory_space<hbm>> -> memref<2600000x32xf32, #tpu.memory_space<hbm>>
    tpu.enqueue_indirect_dma source(%dma_start3A_14 : memref<2600000x32xf32, #tpu.memory_space<hbm>>) target(%dma_start3A_9 : memref<128x32xf32, #tpu.memory_space<vmem>>) offsets(%dma_start3A_11 : memref<128xi32, #tpu.memory_space<vmem>>) semaphore(%arg7 : memref<!tpu.dma_semaphore, #tpu.memory_space<semaphore_mem>>)
    %dma_start3A_15 = arith.constant 128 : i32
    %dma_start3A_16 = arith.constant 0 : i32
    %dma_start3A_17 = tpu.memref_slice %arg6[%dma_start3A_15, %dma_start3A_16] : memref<3328x32xf32, #tpu.memory_space<vmem>> -> memref<128x32xf32, #tpu.memory_space<vmem>>
    %dma_start3A_18 = arith.constant 128 : i32
    %dma_start3A_19 = tpu.memref_slice %arg5[%dma_start3A_18] : memref<3328xi32, #tpu.memory_space<vmem>> -> memref<128xi32, #tpu.memory_space<vmem>>
    %dma_start3A_20 = arith.constant 0 : i32
    %dma_start3A_21 = arith.constant 0 : i32
    %dma_start3A_22 = tpu.memref_slice %arg2[%dma_start3A_20, %dma_start3A_21] : memref<2600000x32xf32, #tpu.memory_space<hbm>> -> memref<2600000x32xf32, #tpu.memory_space<hbm>>
    tpu.enqueue_indirect_dma source(%dma_start3A_22 : memref<2600000x32xf32, #tpu.memory_space<hbm>>) target(%dma_start3A_17 : memref<128x32xf32, #tpu.memory_space<vmem>>) offsets(%dma_start3A_19 : memref<128xi32, #tpu.memory_space<vmem>>) semaphore(%arg8 : memref<!tpu.dma_semaphore, #tpu.memory_space<semaphore_mem>>)
    %scan3A_23 = arith.constant 0 : i32
    %scan3A_24 = arith.constant 13 : i32
    %scan3A_25 = arith.addi %scan3A_23, %scan3A_24 : i32
    %scan3A_26 = arith.constant 1 : i32
    scf.for %scan3A_28 = %scan3A_23 to %scan3A_25 step %scan3A_26  : i32 {
      %mul3A_29 = arith.constant 2 : i32
      %mul3A_30 = arith.muli %scan3A_28, %mul3A_29 : i32
      %add3A_31 = arith.constant 0 : i32
      %add3A_32 = arith.addi %add3A_31, %mul3A_30 : i32
      %add3A_33 = arith.constant 0 : i32
      %add3A_34 = arith.addi %add3A_32, %add3A_33 : i32
      %mul3A_35 = arith.constant 128 : i32
      %mul3A_36 = arith.muli %add3A_34, %mul3A_35 : i32
      %mul3A_37 = arith.constant 128 : i32
      %mul3A_38 = arith.muli %add3A_34, %mul3A_37 : i32
      %dma_wait3A = arith.constant 0 : i32
      %dma_wait3A_39 = tpu.memref_slice %arg6[%mul3A_38, %dma_wait3A] : memref<3328x32xf32, #tpu.memory_space<vmem>> -> memref<128x32xf32, #tpu.memory_space<vmem>>
      %dma_wait3A_40 = tpu.memref_slice %arg5[%mul3A_36] : memref<3328xi32, #tpu.memory_space<vmem>> -> memref<128xi32, #tpu.memory_space<vmem>>
      %dma_wait3A_41 = arith.constant 0 : i32
      %dma_wait3A_42 = arith.constant 0 : i32
      %dma_wait3A_43 = tpu.memref_slice %arg2[%dma_wait3A_41, %dma_wait3A_42] : memref<2600000x32xf32, #tpu.memory_space<hbm>> -> memref<2600000x32xf32, #tpu.memory_space<hbm>>
      tpu.wait_indirect_dma semaphore(%arg7 : memref<!tpu.dma_semaphore, #tpu.memory_space<semaphore_mem>>) src(%dma_wait3A_43 : memref<2600000x32xf32, #tpu.memory_space<hbm>>) dst(%dma_wait3A_39 : memref<128x32xf32, #tpu.memory_space<vmem>>)
      %add3A_44 = arith.constant 2 : i32
      %add3A_45 = arith.addi %add3A_34, %add3A_44 : i32
      %lt3A = arith.constant 26 : i32
      %lt3A_46 = arith.cmpi slt, %add3A_45, %lt3A : i32
      %convert_element_type3A = arith.extui %lt3A_46 : i1 to i32
      %cond3A = arith.constant 0 : i32
      %cond3A_47 = arith.cmpi ne, %convert_element_type3A, %cond3A : i32
      scf.if %cond3A_47 {
        %add3A_67 = arith.constant 2 : i32
        %add3A_68 = arith.addi %add3A_34, %add3A_67 : i32
        %mul3A_69 = arith.constant 128 : i32
        %mul3A_70 = arith.muli %add3A_68, %mul3A_69 : i32
        %mul3A_71 = arith.constant 128 : i32
        %mul3A_72 = arith.muli %add3A_68, %mul3A_71 : i32
        %dma_start3A_73 = arith.constant 0 : i32
        %dma_start3A_74 = tpu.memref_slice %arg6[%mul3A_72, %dma_start3A_73] : memref<3328x32xf32, #tpu.memory_space<vmem>> -> memref<128x32xf32, #tpu.memory_space<vmem>>
        %dma_start3A_75 = tpu.memref_slice %arg5[%mul3A_70] : memref<3328xi32, #tpu.memory_space<vmem>> -> memref<128xi32, #tpu.memory_space<vmem>>
        %dma_start3A_76 = arith.constant 0 : i32
        %dma_start3A_77 = arith.constant 0 : i32
        %dma_start3A_78 = tpu.memref_slice %arg2[%dma_start3A_76, %dma_start3A_77] : memref<2600000x32xf32, #tpu.memory_space<hbm>> -> memref<2600000x32xf32, #tpu.memory_space<hbm>>
        tpu.enqueue_indirect_dma source(%dma_start3A_78 : memref<2600000x32xf32, #tpu.memory_space<hbm>>) target(%dma_start3A_74 : memref<128x32xf32, #tpu.memory_space<vmem>>) offsets(%dma_start3A_75 : memref<128xi32, #tpu.memory_space<vmem>>) semaphore(%arg7 : memref<!tpu.dma_semaphore, #tpu.memory_space<semaphore_mem>>)
      } else {
      }
      %add3A_48 = arith.constant 1 : i32
      %add3A_49 = arith.addi %add3A_32, %add3A_48 : i32
      %mul3A_50 = arith.constant 128 : i32
      %mul3A_51 = arith.muli %add3A_49, %mul3A_50 : i32
      %mul3A_52 = arith.constant 128 : i32
      %mul3A_53 = arith.muli %add3A_49, %mul3A_52 : i32
      %dma_wait3A_54 = arith.constant 0 : i32
      %dma_wait3A_55 = tpu.memref_slice %arg6[%mul3A_53, %dma_wait3A_54] : memref<3328x32xf32, #tpu.memory_space<vmem>> -> memref<128x32xf32, #tpu.memory_space<vmem>>
      %dma_wait3A_56 = tpu.memref_slice %arg5[%mul3A_51] : memref<3328xi32, #tpu.memory_space<vmem>> -> memref<128xi32, #tpu.memory_space<vmem>>
      %dma_wait3A_57 = arith.constant 0 : i32
      %dma_wait3A_58 = arith.constant 0 : i32
      %dma_wait3A_59 = tpu.memref_slice %arg2[%dma_wait3A_57, %dma_wait3A_58] : memref<2600000x32xf32, #tpu.memory_space<hbm>> -> memref<2600000x32xf32, #tpu.memory_space<hbm>>
      tpu.wait_indirect_dma semaphore(%arg8 : memref<!tpu.dma_semaphore, #tpu.memory_space<semaphore_mem>>) src(%dma_wait3A_59 : memref<2600000x32xf32, #tpu.memory_space<hbm>>) dst(%dma_wait3A_55 : memref<128x32xf32, #tpu.memory_space<vmem>>)
      %add3A_60 = arith.constant 2 : i32
      %add3A_61 = arith.addi %add3A_49, %add3A_60 : i32
      %lt3A_62 = arith.constant 26 : i32
      %lt3A_63 = arith.cmpi slt, %add3A_61, %lt3A_62 : i32
      %convert_element_type3A_64 = arith.extui %lt3A_63 : i1 to i32
      %cond3A_65 = arith.constant 0 : i32
      %cond3A_66 = arith.cmpi ne, %convert_element_type3A_64, %cond3A_65 : i32
      scf.if %cond3A_66 {
        %add3A_67 = arith.constant 2 : i32
        %add3A_68 = arith.addi %add3A_49, %add3A_67 : i32
        %mul3A_69 = arith.constant 128 : i32
        %mul3A_70 = arith.muli %add3A_68, %mul3A_69 : i32
        %mul3A_71 = arith.constant 128 : i32
        %mul3A_72 = arith.muli %add3A_68, %mul3A_71 : i32
        %dma_start3A_73 = arith.constant 0 : i32
        %dma_start3A_74 = tpu.memref_slice %arg6[%mul3A_72, %dma_start3A_73] : memref<3328x32xf32, #tpu.memory_space<vmem>> -> memref<128x32xf32, #tpu.memory_space<vmem>>
        %dma_start3A_75 = tpu.memref_slice %arg5[%mul3A_70] : memref<3328xi32, #tpu.memory_space<vmem>> -> memref<128xi32, #tpu.memory_space<vmem>>
        %dma_start3A_76 = arith.constant 0 : i32
        %dma_start3A_77 = arith.constant 0 : i32
        %dma_start3A_78 = tpu.memref_slice %arg2[%dma_start3A_76, %dma_start3A_77] : memref<2600000x32xf32, #tpu.memory_space<hbm>> -> memref<2600000x32xf32, #tpu.memory_space<hbm>>
        tpu.enqueue_indirect_dma source(%dma_start3A_78 : memref<2600000x32xf32, #tpu.memory_space<hbm>>) target(%dma_start3A_74 : memref<128x32xf32, #tpu.memory_space<vmem>>) offsets(%dma_start3A_75 : memref<128xi32, #tpu.memory_space<vmem>>) semaphore(%arg8 : memref<!tpu.dma_semaphore, #tpu.memory_space<semaphore_mem>>)
      } else {
      }
    }
    %scan3A_27 = arith.constant 13 : i32
    "tpu.region"() ({
      %run_scoped3A = tpu.sem_alloc : memref<!tpu.dma_semaphore, #tpu.memory_space<semaphore_mem>>
      %dma_start3A_28 = arith.constant 0 : i32
      %dma_start3A_29 = tpu.memref_slice %arg4[%mul3A_2, %dma_start3A_28] : memref<106496x32xf32, #tpu.memory_space<hbm>> -> memref<3328x32xf32, #tpu.memory_space<hbm>>
      %dma_start3A_30 = arith.constant 0 : i32
      %dma_start3A_31 = tpu.memref_slice %arg4[%mul3A_2, %dma_start3A_30] : memref<106496x32xf32, #tpu.memory_space<hbm>> -> memref<3328x32xf32, #tpu.memory_space<hbm>>
      tpu.enqueue_dma source(%arg6 : memref<3328x32xf32, #tpu.memory_space<vmem>>) target(%dma_start3A_31 : memref<3328x32xf32, #tpu.memory_space<hbm>>) target_semaphore(%run_scoped3A : memref<!tpu.dma_semaphore, #tpu.memory_space<semaphore_mem>>)
      %dma_wait3A = arith.constant 0 : i32
      %dma_wait3A_32 = tpu.memref_slice %arg4[%mul3A_2, %dma_wait3A] : memref<106496x32xf32, #tpu.memory_space<hbm>> -> memref<3328x32xf32, #tpu.memory_space<hbm>>
      %dma_wait3A_33 = arith.constant 0 : i32
      %dma_wait3A_34 = tpu.memref_slice %arg4[%mul3A_2, %dma_wait3A_33] : memref<106496x32xf32, #tpu.memory_space<hbm>> -> memref<3328x32xf32, #tpu.memory_space<hbm>>
      tpu.wait_dma2 semaphore(%run_scoped3A : memref<!tpu.dma_semaphore, #tpu.memory_space<semaphore_mem>>) src(%arg6 : memref<3328x32xf32, #tpu.memory_space<vmem>>) dst(%dma_wait3A_34 : memref<3328x32xf32, #tpu.memory_space<hbm>>)
      tpu.yield
    }) : () -> ()
    return
  }
}

module attributes {stable_mosaic.version = 14 : i64} {
  func.func @_dense_body(%arg0: i32, %arg1: memref<512x832xf32, #tpu.memory_space<vmem>>, %arg2: memref<832x256xf32, #tpu.memory_space<vmem>>, %arg3: memref<1x256xf32, #tpu.memory_space<vmem>>, %arg4: memref<256x1xf32, #tpu.memory_space<vmem>>, %arg5: memref<1x1xf32, #tpu.memory_space<vmem>>, %arg6: memref<512x1xf32, #tpu.memory_space<vmem>>) attributes {dimension_semantics = [#tpu.dimension_semantics<arbitrary>], iteration_bounds = array<i64: 8>, scalar_prefetch = 0 : i64, scratch_operands = 0 : i64, tpu.core_type = #tpu.core_type<tc>, window_params = [{transform_indices = @transform_0, window_bounds = array<i64: 512, 832>}, {pipeline_mode = #tpu.pipeline_mode<synchronous>, transform_indices = @transform_1, window_bounds = array<i64: 832, 256>}, {pipeline_mode = #tpu.pipeline_mode<synchronous>, transform_indices = @transform_2, window_bounds = array<i64: 1, 256>}, {pipeline_mode = #tpu.pipeline_mode<synchronous>, transform_indices = @transform_3, window_bounds = array<i64: 256, 1>}, {pipeline_mode = #tpu.pipeline_mode<synchronous>, transform_indices = @transform_4, window_bounds = array<i64: 1, 1>}, {transform_indices = @transform_5, window_bounds = array<i64: 512, 1>}]} {
    %get3A = arith.constant 0 : index
    %get3A_0 = arith.constant 0 : index
    %get3A_1 = vector.load %arg1[%get3A, %get3A_0] : memref<512x832xf32, #tpu.memory_space<vmem>>, vector<512x832xf32>
    %get3A_2 = arith.constant 0 : index
    %get3A_3 = arith.constant 0 : index
    %get3A_4 = vector.load %arg2[%get3A_2, %get3A_3] : memref<832x256xf32, #tpu.memory_space<vmem>>, vector<832x256xf32>
    %dot_general3A = arith.constant dense<0.000000e+00> : vector<512x256xf32>
    %dot_general3A_5 = tpu.matmul %get3A_1, %get3A_4, %dot_general3A {dimension_numbers = #tpu.dot_dimension_numbers<[1], [0], [0], [1], [0, 0, 1, 1], [], []>, transpose_lhs_hint = false} : vector<512x832xf32>, vector<832x256xf32>, vector<512x256xf32> -> vector<512x256xf32>
    %get3A_6 = arith.constant 0 : index
    %get3A_7 = arith.constant 0 : index
    %get3A_8 = vector.load %arg3[%get3A_6, %get3A_7] : memref<1x256xf32, #tpu.memory_space<vmem>>, vector<1x256xf32>
    %add3A = vector.broadcast %get3A_8 : vector<1x256xf32> to vector<512x256xf32>
    %add3A_9 = arith.addf %dot_general3A_5, %add3A : vector<512x256xf32>
    %max3A = arith.constant 0.000000e+00 : f32
    %max3A_10 = vector.broadcast %max3A : f32 to vector<512x256xf32>
    %max3A_11 = arith.maximumf %add3A_9, %max3A_10 : vector<512x256xf32>
    %get3A_12 = arith.constant 0 : index
    %get3A_13 = arith.constant 0 : index
    %get3A_14 = vector.load %arg4[%get3A_12, %get3A_13] : memref<256x1xf32, #tpu.memory_space<vmem>>, vector<256x1xf32>
    %dot_general3A_15 = arith.constant dense<0.000000e+00> : vector<512x1xf32>
    %dot_general3A_16 = tpu.matmul %max3A_11, %get3A_14, %dot_general3A_15 {dimension_numbers = #tpu.dot_dimension_numbers<[1], [0], [0], [1], [0, 0, 1, 1], [], []>, transpose_lhs_hint = false} : vector<512x256xf32>, vector<256x1xf32>, vector<512x1xf32> -> vector<512x1xf32>
    %get3A_17 = arith.constant 0 : index
    %get3A_18 = arith.constant 0 : index
    %get3A_19 = vector.load %arg5[%get3A_17, %get3A_18] : memref<1x1xf32, #tpu.memory_space<vmem>>, vector<1x1xf32>
    %add3A_20 = vector.broadcast %get3A_19 : vector<1x1xf32> to vector<512x1xf32>
    %add3A_21 = arith.addf %dot_general3A_16, %add3A_20 : vector<512x1xf32>
    %neg3A = arith.constant 0.000000e+00 : f32
    %neg3A_22 = vector.broadcast %neg3A : f32 to vector<512x1xf32>
    %neg3A_23 = arith.subf %neg3A_22, %add3A_21 : vector<512x1xf32>
    %exp3A = math.exp %neg3A_23 : vector<512x1xf32>
    %add3A_24 = arith.constant 1.000000e+00 : f32
    %add3A_25 = vector.broadcast %add3A_24 : f32 to vector<512x1xf32>
    %add3A_26 = arith.addf %add3A_25, %exp3A : vector<512x1xf32>
    %div3A = arith.constant 1.000000e+00 : f32
    %div3A_27 = vector.broadcast %div3A : f32 to vector<512x1xf32>
    %div3A_28 = arith.divf %div3A_27, %add3A_26 : vector<512x1xf32>
    %swap3A = arith.constant 0 : index
    %swap3A_29 = arith.constant 0 : index
    %swap3A_30 = vector.load %arg6[%swap3A, %swap3A_29] : memref<512x1xf32, #tpu.memory_space<vmem>>, vector<512x1xf32>
    tpu.vector_store %arg6[%swap3A, %swap3A_29], %div3A_28 {strides = array<i32>} : memref<512x1xf32, #tpu.memory_space<vmem>>, vector<512x1xf32>,
    return
  }
  func.func @transform_0(%arg0: i32) -> (i32, i32) {
    %c0_i32 = arith.constant 0 : i32
    %c0_i32_0 = arith.constant 0 : i32
    return %arg0, %c0_i32 : i32, i32
  }
  func.func @transform_1(%arg0: i32) -> (i32, i32) {
    %c0_i32 = arith.constant 0 : i32
    %c0_i32_0 = arith.constant 0 : i32
    %c0_i32_1 = arith.constant 0 : i32
    return %c0_i32, %c0_i32_0 : i32, i32
  }
  func.func @transform_2(%arg0: i32) -> (i32, i32) {
    %c0_i32 = arith.constant 0 : i32
    %c0_i32_0 = arith.constant 0 : i32
    %c0_i32_1 = arith.constant 0 : i32
    return %c0_i32, %c0_i32_0 : i32, i32
  }
  func.func @transform_3(%arg0: i32) -> (i32, i32) {
    %c0_i32 = arith.constant 0 : i32
    %c0_i32_0 = arith.constant 0 : i32
    %c0_i32_1 = arith.constant 0 : i32
    return %c0_i32, %c0_i32_0 : i32, i32
  }
  func.func @transform_4(%arg0: i32) -> (i32, i32) {
    %c0_i32 = arith.constant 0 : i32
    %c0_i32_0 = arith.constant 0 : i32
    %c0_i32_1 = arith.constant 0 : i32
    return %c0_i32, %c0_i32_0 : i32, i32
  }
  func.func @transform_5(%arg0: i32) -> (i32, i32) {
    %c0_i32 = arith.constant 0 : i32
    %c0_i32_0 = arith.constant 0 : i32
    return %arg0, %c0_i32 : i32, i32
  }
}

</mosaic_0001>

<sc_bundles>
// kernel: kernel.4.cloned.1.call-start
scs
__scs_entry_jumppad:
0x0: {  	(pc) =	sbr.rel $0x88, $3  }
0x1: {  	(tag) =	ssettag $0x0;
	lr =	simm.s32 $0x1  }
0x2: {  	[smem:$0x3F9B] =	sst lr;
	_ =	strace $0xD0000000  }
0x3: {  	_ = 	snop  }
0x4: {  	_ = 	snop  }
0x5: {  	_ = 	snop  }
0x6: {  	_ = 	snop  }
0x7: {  	_ = 	snop  }
__scs_overlays_trampoline_lowered:
0x8: {  	[smem:$0x3FAA] =	sst s0  }
0x9: {  	[smem:$0x3FAB] =	sst s1  }
0xa: {  	[smem:$0x3FAC] =	sst s2  }
0xb: {  	[smem:$0x3FAD] =	sst s3  }
0xc: {  	[smem:$0x3FAE] =	sst s4  }
0xd: {  	[smem:$0x3FAF] =	sst s5  }
0xe: {  	[smem:$0x3FB0] =	sst s6  }
0xf: {  	[smem:$0x3FB1] =	sst s7  }
0x10: {  	[smem:$0x3FB2] =	sst s8  }
0x11: {  	[smem:$0x3FB3] =	sst s9;
	s0 =	simm.s32 @!p0 $0x0  }
0x12: {  	s1 =	sld [smem:$0x3F99];
	s0 =	simm.s32 @p0 $0x1  }
0x13: {  	[smem:$0x3FB4] =	sst s0;
	s0 =	simm.s32 @!p1 $0x0  }
0x14: {  	s2 =	sld [smem:$0x3F98];
	s0 =	simm.s32 @p1 $0x1  }
0x15: {  	[smem:$0x3FB5] =	sst s0;
	s0 =	simm.s32 @!p2 $0x0  }
0x16: {  	s3 =	sld [smem:$0x3FDB];
	s0 =	simm.s32 @p2 $0x1  }
0x17: {  	s4 =	simm.s32 $0x1BF5;
	[smem:$0x3FB7] =	sst s0  }
0x18: {  	s0 =	sld [smem:$0x3F9A];
	_ =	swait.ge [sflag:s4], $0x0  }
0x19: {  	s7 =	sld [smem:$0x3F9B]  }
0x1a: {  	s8 =	sadd.s32 $0xFFFFE003, lr  }
0x1b: {  	s9 =	sadd.s32 $0xFFFFFEF7, lr;
	s5 =	simm.s32 $0xFFFFFFFF;
	p2 =	slt.u32 s8, $0xFFFFF086  }
0x1c: {  	p1 =	slt.u32 s9, $0xF7A;
	s5 =	simm.s32 @!p2 $0x0  }
0x1d: {  	s5 =	simm.s32 @p1 $0x1;
	p0 =	seq.s32 s7, s2  }
0x1e: {  	s7 =	smul.u32 @!p0 $0xF7A, s2;
	p2 =	seq.s32 @!p0 s5, $0x0  }
0x1f: {  	s9 =	smul.u32 $0xF7A, s1;
	s8 =	simm.s32 @!p0 $0x1BF5;
	p2 =	por !p2, p0  }
0x20: {  	[sflag:s8] =	ssyncset.s32 @!p0 $0xFFFFF086;
	s6 =	sadd.s32 @!p0 s3, s7;
	s7 =	simm.s32 @!p0 $0x108  }
0x21: {  	s3 =	sadd.s32 s3, s9;
	s6 =	sadd.s32 @!p0 $0x88, s6;
	s7 =	simm.s32 @p2 $0x1082  }
0x22: {  	[simem:s7], [sflag:s8] =	dma.local @!p0 [hbm:s6], $0xF7A  }
0x23: {  	s9 =	sor.u32 $0xD0000000, s2;
	s6 =	simm.s32 $0x108;
	_ =	swait.ge @!p0 [sflag:s8], $0x0  }
0x24: {  	s3 =	sadd.s32 $0x88, s3;
	s6 =	simm.s32 @!p1 $0x1082;
	[sflag:s4] =	ssyncset.s32 $0xFFFFF086  }
0x25: {  	[simem:s6], [sflag:s4] =	dma.local [hbm:s3], $0xF7A  }
0x26: {  	[smem:$0x3F9B] =	sst s1;
	(tag) =	ssettag s2;
	_ =	strace s9  }
0x27: {  	s1 =	sld [smem:$0x3FAB]  }
0x28: {  	s2 =	sld [smem:$0x3FAC]  }
0x29: {  	s4 =	sld [smem:$0x3FAE]  }
0x2a: {  	p0 =	seq.s32 s5, $0x0;
	s5 =	sld [smem:$0x3FAF]  }
0x2b: {  	s6 =	sld [smem:$0x3FB0]  }
0x2c: {  	s7 =	sld [smem:$0x3FB1]  }
0x2d: {  	s3 =	simm.s32 $0x108;
	s8 =	sld [smem:$0x3FB2]  }
0x2e: {  	s3 =	simm.s32 @!p0 $0x1082;
	s9 =	sld [smem:$0x3FB3]  }
0x2f: {  	lr =	sadd.s32 s0, s3;
	s0 =	sld [smem:$0x3FAA]  }
0x30: {  	s3 =	sld [smem:$0x3FAD]  }
0x31: {  	[smem:$0x3FB6] =	sst s10  }
0x32: {  	s10 =	sld [smem:$0x3FB4];
	_ =	sdelay $0x3  }
0x33: {  	p0 =	seq.s32 s10, $0x1;
	s10 =	sld [smem:$0x3FB6];
	_ =	sdelay $0x3  }
0x34: {  	[smem:$0x3FB6] =	sst s10  }
0x35: {  	s10 =	sld [smem:$0x3FB5];
	_ =	sdelay $0x3  }
0x36: {  	p1 =	seq.s32 s10, $0x1;
	s10 =	sld [smem:$0x3FB6];
	_ =	sdelay $0x3  }
0x37: {  	[smem:$0x3FB6] =	sst s10  }
0x38: {  	s10 =	sld [smem:$0x3FB7]  }
0x39: {  	_ = 	snop;
	(pc) =	sbr.ind lr, $3  }
0x3a: {  	_ = 	snop  }
0x3b: {  	_ = 	snop  }
0x3c: {  	p2 =	seq.s32 s10, $0x1;
	s10 =	sld [smem:$0x3FB6]  }
0x3d: {  	_ =	shalt  }
0x3e: {  	_ =	shalt  }
0x3f: {  	_ =	shalt  }
0x40: {  	_ =	shalt  }
0x41: {  	_ =	shalt  }
0x42: {  	_ =	shalt  }
0x43: {  	_ =	shalt  }
0x44: {  	_ =	shalt  }
0x45: {  	_ =	shalt  }
0x46: {  	_ =	shalt  }
0x47: {  	_ =	shalt  }
0x48: {  	_ =	shalt  }
0x49: {  	_ =	shalt  }
0x4a: {  	_ =	shalt  }
0x4b: {  	_ =	shalt  }
0x4c: {  	_ =	shalt  }
0x4d: {  	_ =	shalt  }
0x4e: {  	_ =	shalt  }
0x4f: {  	_ =	shalt  }
0x50: {  	_ =	shalt  }
0x51: {  	_ =	shalt  }
0x52: {  	_ =	shalt  }
0x53: {  	_ =	shalt  }
0x54: {  	_ =	shalt  }
0x55: {  	_ =	shalt  }
0x56: {  	_ =	shalt  }
0x57: {  	_ =	shalt  }
0x58: {  	_ =	shalt  }
0x59: {  	_ =	shalt  }
0x5a: {  	_ =	shalt  }
0x5b: {  	_ =	shalt  }
0x5c: {  	_ =	shalt  }
0x5d: {  	_ =	shalt  }
0x5e: {  	_ =	shalt  }
0x5f: {  	_ =	shalt  }
0x60: {  	_ =	shalt  }
0x61: {  	_ =	shalt  }
0x62: {  	_ =	shalt  }
0x63: {  	_ =	shalt  }
0x64: {  	_ =	shalt  }
0x65: {  	_ =	shalt  }
0x66: {  	_ =	shalt  }
0x67: {  	_ =	shalt  }
0x68: {  	_ =	shalt  }
0x69: {  	_ =	shalt  }
0x6a: {  	_ =	shalt  }
0x6b: {  	_ =	shalt  }
0x6c: {  	_ =	shalt  }
0x6d: {  	_ =	shalt  }
0x6e: {  	_ =	shalt  }
0x6f: {  	_ =	shalt  }
0x70: {  	_ =	shalt  }
0x71: {  	_ =	shalt  }
0x72: {  	_ =	shalt  }
0x73: {  	_ =	shalt  }
0x74: {  	_ =	shalt  }
0x75: {  	_ =	shalt  }
0x76: {  	_ =	shalt  }
0x77: {  	_ =	shalt  }
0x78: {  	_ =	shalt  }
0x79: {  	_ =	shalt  }
0x7a: {  	_ =	shalt  }
0x7b: {  	_ =	shalt  }
0x7c: {  	_ =	shalt  }
0x7d: {  	_ =	shalt  }
0x7e: {  	_ =	shalt  }
0x7f: {  	_ =	shalt  }
0x80: {  	_ =	shalt  }
0x81: {  	_ =	shalt  }
0x82: {  	_ =	shalt  }
0x83: {  	_ =	shalt  }
0x84: {  	_ =	shalt  }
0x85: {  	_ =	shalt  }
0x86: {  	_ =	shalt  }
0x87: {  	_ =	shalt  }
.Lfunc_end0:
.L_simem_size_0:
called_computation_lowered:
.L_overlay_start_0:
0x88: {  	s2 =	sld [smem:$0x3FD9]  }
0x89: {  	s3 =	sld [smem:$0x3FFE];
	_ =	sdelay $0x1  }
0x8a: {  	s1 =	srdreg.scid  }
0x8b: {  	s0 =	sand.u32 $0x1, s1  }
0x8c: {  	s16 =	sshll.u32 s0, $0xA;
	s2 =	sadd.s32 s3, s2  }
0x8d: {  	s2 =	sadd.s32 s2, s16  }
0x8e: {  	[smem:$0x3FC2] =	sst s2  }
0x8f: {  	_ = 	snop  }
0x90: {  	(tm) =	ssettm $0x1  }
0x91: {  	s17 =	sld [smem:$0x3FFB];
	_ =	sdelay $0x3  }
0x92: {  	_ =	strace s17  }
0x93: {  	s2 =	sld [smem:$0x3FFC];
	_ =	sdelay $0x3  }
0x94: {  	_ =	strace s2  }
0x95: {  	s2 =	sld [smem:$0x3FFD];
	_ =	sdelay $0x3  }
0x96: {  	_ =	strace s2  }
0x97: {  	_ =	strace $0x8FFFFFFF  }
0x98: {  	s18 =	sld [smem:$0x3FDB];
	_ =	sdelay $0x1  }
0x99: {  	s19 =	simm.s32 $_scs_section_size  }
0x9a: {  	s4 =	simm.s32 $_size__tile_overlayer_lowered;
	s5 =	simm.s32 $_tile_overlayer_lowered  }
0x9b: {  	s22 =	simm.s32 $0x1BFF;
	s21 =	sshll.u32 s5, $0x1;
	s2 =	sadd.s32 s19, s18  }
0x9c: {  	s6 =	simm.s32 $0x0;
	s20 =	sshll.u32 s4, $0x1;
	s4 =	sadd.s32 s21, s2  }
0x9d: {  	[timem:s6], [sflag:s22] =	dma.local [hbm:s4], s20  }
0x9e: {  	_ =	swait.ge [sflag:s22], s20  }
0x9f: {  	s3 =	ssub.s32 $0x0, s20;
	[sflag:s22] =	ssyncset.done $0x0  }
0xa0: {  	[sflag:s22] =	ssyncadd.s32 s3;
	_ =	sdelay $0x1  }
0xa1: {  	s23 =	simm.s32 $0x1B8B  }
0xa2: {  	_ =	swait.ge [sflag:s23], $0x1  }
0xa3: {  	[sflag:s23] =	ssyncset.done $0x0  }
0xa4: {  	s25 =	simm.s32 $0x1B8E;
	s24 =	sld [smem:$0x3FFE];
	[sflag:s23] =	ssyncadd.s32 $0xFFFFFFFF  }
0xa5: {  	s26 =	simm.s32 $execute0_lowered;
	[smem:$0x3FD2] =	sst s25  }
0xa6: {  	s4 =	sshll.u32 s26, $0x1;
	_ =	strace $0x80000046;
	[dreg:$0x1] =	wrdreg $0xFFFFFFFF  }
0xa7: {  	s28 =	simm.s32 $_size_execute0_lowered;
	s2 =	sadd.s32 s2, s4;
	[dreg:$0x0] =	wrdreg $0x0  }
0xa8: {  	s4 =	sshll.u32 s28, $0x1;
	[dreg:$0x2] =	wrdreg s2  }
0xa9: {  	[dreg:$0x3] =	wrdreg s4  }
0xaa: {  	[dreg:$0x4] =	wrdreg $0xC0  }
0xab: {  	_ =	task [dreg:s6], $0x5FFFF  }
0xac: {  	[dreg:$0x1] =	wrdreg $0xFFFFFFFF  }
0xad: {  	[dreg:$0x0] =	wrdreg $0x60  }
0xae: {  	[dreg:$0x2] =	wrdreg s24  }
0xaf: {  	[dreg:$0x3] =	wrdreg $0x9  }
0xb0: {  	_ =	task.clear_ibuf [dreg:s6], $0x4FFFF;
	_ =	strace $0x90000046  }
0xb1: {  	s29 =	simm.s32 $0x9;
	_ =	strace $0x80000048  }
0xb2: {  	_ =	swait.ge [sflag:s29], $0x1  }
0xb3: {  	[sflag:s29] =	ssyncadd.s32 $0xFFFFFFFF  }
0xb4: {  	_ =	strace $0x90000048  }
0xb5: {  	_ =	sfence  }
0xb6: {  	s30 =	sld [smem:$0x0];
	_ =	sdelay $0x2  }
0xb7: {  	s31 =	sshll.u32 s1, $0xD;
	s1 =	sshrl.u32 s1, $0x2  }
0xb8: {  	s3 =	sand.u32 $0x4000, s31;
	s1 =	sadd.s32 s1, s30  }
0xb9: {  	s0 =	sor.u32 s3, s0;
	s1 =	sshll.u32 s1, $0x11  }
0xba: {  	s0 =	sor.u32 s1, s0  }
0xbb: {  	s0 =	sadd.s32 $0x8F2B, s0  }
0xbc: {  	[sflag:s0] =	ssyncadd.remote.s32 $0x1  }
0xbd: {  	_ =	sfence.sel $0xFFFF  }
0xbe: {  	[dreg:$0x0] =	wrdreg $0xFFFFFFFF;
	(pc) =	sbr.abs _section_cstart, $3  }
0xbf: {  	[dreg:$0x1] =	wrdreg $0xFFFFFFFF  }
0xc0: {  	_ =	task.clear_ibuf [dreg:s6], $0x2FFFF;
	_ =	strace $0x9FFFFFFF  }
0xc1: {  	(tm) =	ssettm $0x7FFFFFFF  }
tec
execute0_lowered:
.L_overlay_start_1:
0x0: {  	(tag) =	ssettag $0x1  }
0x1: {  	s1 =	srdreg.scid  }
0x2: {  	s0 =	stileid.u32;
	s4 =	rddreg [dreg:$0x0];
	s2 =	simm.s32 $0x0  }
0x3: {  	s9 =	simm.s32 $0xD00;
	s10 =	simm.s32 $0x1D00;
	s11 =	simm.s32 $0x1  }
0x4: {  	s12 =	simm.s32 $0x2;
	s3 =	sand.u32 $0x1, s1;
	s5 =	sshll.u32 s0, $0x1  }
0x5: {  	s13 =	simm.s32 $0x0;
	s1 =	rddreg [dreg:$0x1];
	s5 =	sor.u32 s3, s5  }
0x6: {  	[smem:$0x7FF] =	sst s2;
	s7 =	ssub.s32 $0x2, s3;
	s6 =	smul.u32 $0x1A0, s5  }
0x7: {  	_ =	strace $0x80000047;
	s5 =	smul.u32 $0x3400, s5;
	s8 =	sshrl.u32 s7, $0x1  }
0x8: {  	s3 =	sadd.s32 $0x27ACC00, s4;
	s7 =	ssub.s32 s7, s8;
	s6 =	sadd.s32 s6, s4  }
0x9: {  	s8 =	simm.s32 $0x80;
	s5 =	sadd.s32 s5, s4;
	s4 =	sadd.s32 $0x800, s6  }
0xa: {  	v0 =	vlaneseq.u32;
	s5 =	sadd.s32 $0x3C00, s5;
	s6 =	smax.u32 s7, $0x1;
	s7 =	simm.s32 $0x3  }
.LBB2_1:
0xb: {  	v1 =	vor.u32 s2, v0  }
0xc: {  	v2 =	vmulhi.u32 $0x4EC4EC4F, v1  }
0xd: {  	[tilespmem:s2], [sflag:$0x3] =	stream.linear.gather [hbm4b:s4+s2], $0xD00, $0x38;
	[tilespmem:$0x1AD00] =	vst v63  }
0xe: {  	_ =	swait.ge [sflag:s7], $0xD00;
	v2 =	vshrl.u32 v2, $0x3  }
0xf: {  	[sflag:s7] =	ssyncset.done $0x0;
	v2 =	vmul.u32 $0x1A, v2  }
0x10: {  	[sflag:s7] =	ssyncadd.s32 $0xFFFFF300  }
0x11: {  	v3 =	vsub.s32 v1, v2;
	v2 =	vld [tilespmem:s2+$0x0];
	_ =	sdelay $0x1  }
0x12: {  	s14 =	simm.s32 $0x10  }
0x13: {  	s15 =	simm.s32 $0x20;
	v1 =	vor.u32 s14, v0;
	s14 =	simm.s32 $0x0;
	v3 =	vmul.u32 $0x186A0, v3  }
.LBB2_2:
0x14: {  	p0 =	sne.s32 s15, $0xCF0;
	v4 =	vmulhi.u32 $0x4EC4EC4F, v1  }
0x15: {  	v2 =	vadd.s32 v3, v2  }
.Ltmp0:
0x16: {  	v3 =	vshrl.u32 v4, $0x3;
	[tilespmem:s14+$0x0] =	vst v2;
	s14 =	sadd.s32 $0x10, s14;
	(pc) =	sbr.rel @p0 .LBB2_2-.Ltmp0, $3  }
0x17: {  	v3 =	vmul.u32 $0x1A, v3;
	v2 =	vld [tilespmem:s14+$0x0];
	_ =	sdelay $0x1  }
0x18: {  	v3 =	vsub.s32 v1, v3  }
0x19: {  	v1 =	vor.u32 s15, v0;
	s15 =	sadd.s32 $0x10, s15;
	v3 =	vmul.u32 $0x186A0, v3  }
0x1a: {  	v4 =	vmulhi.u32 $0x4EC4EC4F, v1  }
0x1b: {  	v2 =	vadd.s32 v3, v2  }
0x1c: {  	s30 =	sadd.s32 $0x10, s14;
	v3 =	vshrl.u32 v4, $0x3;
	[tilespmem:s14+$0x0] =	vst v2  }
0x1d: {  	v2 =	vmul.u32 $0x1A, v3;
	v3 =	vld [tilespmem:s30+$0x0];
	_ =	sdelay $0x1  }
0x1e: {  	v1 =	vsub.s32 v1, v2  }
0x1f: {  	v1 =	vmul.u32 $0x186A0, v1;
	_ =	sdelay $0x1  }
0x20: {  	v1 =	vadd.s32 v1, v3  }
0x21: {  	[tilespmem:s30+$0x0] =	vst v1  }
0x22: {  	[tilespmem:s9], [sflag:$0x1] =	stream.indirect.gather [hbm4b:s3+s8], $0x20, s2, s8, $0xb8;
	[tilespmem:$0x1AD00] =	vst v63  }
0x23: {  	_ = 	snop  }
0x24: {  	[tilespmem:s10], [sflag:$0x2] =	stream.indirect.gather [hbm4b:s3+s8], $0x20, s8, s8, $0xb8;
	[tilespmem:$0x1AD00] =	vst v63  }
0x25: {  	_ =	swait.ge [sflag:s11], $0x1000  }
0x26: {  	[sflag:s11] =	ssyncset.done $0x0  }
0x27: {  	s31 =	simm.s32 $0x100;
	s15 =	simm.s32 $0x2D00;
	[sflag:s11] =	ssyncadd.s32 $0xFFFFF000  }
0x28: {  	[tilespmem:s15], [sflag:$0x1] =	stream.indirect.gather [hbm4b:s3+s8], $0x20, s31, s8, $0xb8;
	[tilespmem:$0x1AD00] =	vst v63  }
0x29: {  	_ =	swait.ge [sflag:s12], $0x1000  }
0x2a: {  	s16 =	simm.s32 $0x3D00;
	s17 =	simm.s32 $0x180;
	[sflag:s12] =	ssyncset.done $0x0  }
0x2b: {  	s14 =	simm.s32 $0xFFFA8000;
	s15 =	simm.s32 $0x200;
	[sflag:s12] =	ssyncadd.s32 $0xFFFFF000  }
.LBB2_4:
0x2c: {  	[tilespmem:s16], [sflag:$0x2] =	stream.indirect.gather [hbm4b:s3+s8], $0x20, s17, s8, $0xb8;
	[tilespmem:$0x1AD00] =	vst v63  }
0x2d: {  	s16 =	smov.u32 s14;
	s17 =	smov.u32 s15  }
0x2e: {  	p0 =	sne.s32 s14, $0xFFFF8000;
	s14 =	sadd.s32 $0x8000, s14;
	_ =	swait.ge [sflag:s11], $0x1000  }
0x2f: {  	s16 =	sshra.s32 s16, $0x2;
	[sflag:s11] =	ssyncset.done $0x0  }
.Ltmp1:
0x30: {  	s18 =	sadd.s32 $0x1AD00, s16;
	[sflag:s11] =	ssyncadd.s32 $0xFFFFF000;
	(pc) =	sbr.rel @p0 .LBB2_4-.Ltmp1, $4  }
0x31: {  	[tilespmem:s18], [sflag:$0x1] =	stream.indirect.gather [hbm4b:s3+s8], $0x20, s15, s8, $0xb8;
	[tilespmem:$0x1AD00] =	vst v63  }
0x32: {  	_ =	swait.ge [sflag:s12], $0x1000  }
0x33: {  	s15 =	sadd.s32 $0x100, s15;
	[sflag:s12] =	ssyncset.done $0x0  }
0x34: {  	s17 =	sadd.s32 $0x80, s17;
	s16 =	sadd.s32 $0x1BD00, s16;
	[sflag:s12] =	ssyncadd.s32 $0xFFFFF000  }
0x35: {  	[tilespmem:s16], [sflag:$0x2] =	stream.indirect.gather [hbm4b:s3+s8], $0x20, s17, s8, $0xb8;
	[tilespmem:$0x1AD00] =	vst v63  }
0x36: {  	_ =	swait.ge [sflag:s11], $0x1000  }
0x37: {  	[sflag:s11] =	ssyncset.done $0x0  }
0x38: {  	[sflag:s11] =	ssyncadd.s32 $0xFFFFF000  }
0x39: {  	s13 =	sadd.s32 $0x1, s13;
	_ =	swait.ge [sflag:s12], $0x1000  }
0x3a: {  	p0 =	sne.s32 s13, s6;
	[sflag:s12] =	ssyncset.done $0x0  }
.Ltmp2:
0x3b: {  	[sflag:s12] =	ssyncadd.s32 $0xFFFFF000;
	(pc) =	sbr.rel @p0 .LBB2_1-.Ltmp2, $4  }
0x3c: {  	[hbm4b:s5+s2] =	stream.linear.scatter [tilespmem:s9], [sflag:$0x3], $0x1A000, $0x38;
	[tilespmem:$0x1AD00] =	vst v63  }
0x3d: {  	_ =	swait.ge [sflag:s7], $0x1A000  }
0x3e: {  	[sflag:s7] =	ssyncset.done $0x0  }
0x3f: {  	[sflag:s7] =	ssyncadd.s32 $0xFFFE6000  }
0x40: {  	_ =	sfence.sel $0x180000  }
0x41: {  	[bflag:$0x0] =	sbarrier.arrive $0xFFFF  }
0x42: {  	p0 =	sne.s32 s0, $0x0;
	_ =	strace $0x90000047  }
0x43: {  	s0 =	sadd.s32 @!p0 $0x100000, s1;
	[bflag:$0x2] =	sbarrier.arrive $0xFFFF  }
0x44: {  	[sflag:s0] =	ssyncadd.tile.s32 @!p0 $0x1;
	_ =	shalt  }
.Lfunc_end2:
_tile_overlayer_lowered:
.L_overlay_start_2:
0x45: {  	(tag) =	ssettag $0x2  }
0x46: {  	s0 =	rddreg [dreg:$0x0];
	s2 =	stileid.u32  }
0x47: {  	s1 =	rddreg [dreg:$0x1];
	p0 =	sne.s32 s2, $0x0  }
0x48: {  	s3 =	rddreg [dreg:$0x2];
	[bflag:$0x3] =	sbarrier.arrive $0xFFFF;
	s2 =	simm.s32 @!p0 $0x1C03  }
0x49: {  	[timem:s3], [sflag:s2] =	dma.local @!p0 [hbm:s0], s1  }
0x4a: {  	s0 =	simm.s32 @!p0 $0x3  }
0x4b: {  	_ =	swait.ge @!p0 [sflag:s0], s1  }
0x4c: {  	s1 =	ssub.s32 @!p0 $0x0, s1;
	[sflag:s0] =	ssyncset.done @!p0 $0x0  }
0x4d: {  	[sflag:s0] =	ssyncadd.s32 @!p0 s1  }
0x4e: {  	[bflag:$0x3] =	sbarrier.arrive $0xFFFF  }
0x4f: {  	_ =	shalt  }

</sc_bundles>
